<compile_context>
chip_gen: v7x
topology: tpu7x:2x2x1
jax: 0.10.2.dev20260603
libtpu: 0.0.44.dev20260713+nightly
codegen_flags: <defaults>
</compile_context>

<pallas_src>
import jax
import jax.numpy as jnp
from jax import lax
from jax.experimental import pallas as pl
from jax.experimental.pallas import tpu as pltpu
from jax.experimental.pallas import tpu_sc as plsc

B, L, D, F, T = 8, 512, 256, 256, 1536
BL = B * L
NW = 32
RPW = (B * T) // NW
CHUNK = 32
NCH = RPW // CHUNK
HB = B // 2
SCROWS = HB * L + 8
ZROW = HB * L
LN_EPS = 1e-5


def _tc_body(mel_ref, bl_ref, x_ref, tgt_ref,
             w1a, w1b, w1c, bc1_r, g1_r, b1_r,
             w2a, w2b, w2c, bc2_r, g2_r, b2_r,
             wl_r, dur_ref, idx_ref, ends_ref):
    xb = x_ref[...]
    r = lax.broadcasted_iota(jnp.int32, (BL, 1), 0)
    first = (r % L == 0)
    last = (r % L == (L - 1))
    zrow = jnp.zeros((1, D), jnp.float32)

    def shift_up(a):
        s = jnp.concatenate([zrow, a[:-1, :]], axis=0)
        return jnp.where(first, 0.0, s)

    def shift_dn(a):
        s = jnp.concatenate([a[1:, :], zrow], axis=0)
        return jnp.where(last, 0.0, s)

    def ln_relu(h, g, b):
        m = jnp.mean(h, axis=-1, keepdims=True)
        v = jnp.mean((h - m) * (h - m), axis=-1, keepdims=True)
        hn = (h - m) * lax.rsqrt(v + LN_EPS)
        return jnp.maximum(hn * g + b, 0.0)

    def mm(a, w):
        return jnp.dot(a.astype(jnp.bfloat16), w[...],
                       preferred_element_type=jnp.float32)

    h = mm(shift_up(xb), w1a) + mm(xb, w1b) + mm(shift_dn(xb), w1c) + bc1_r[...]
    h = ln_relu(h, g1_r[...], b1_r[...])
    h2 = mm(shift_up(h), w2a) + mm(h, w2b) + mm(shift_dn(h), w2c) + bc2_r[...]
    h2 = ln_relu(h2, g2_r[...], b2_r[...])
    dur = jnp.sum(h2 * wl_r[...], axis=-1, keepdims=True) + bl_ref[0]
    dur_ref[...] = jnp.maximum(dur, 0.0)

    ia = lax.broadcasted_iota(jnp.int32, (L, L), 0)
    ib = lax.broadcasted_iota(jnp.int32, (L, L), 1)
    m_tri = (ia <= ib).astype(jnp.float32)
    ends_ref[...] = jax.lax.dot(tgt_ref[...], m_tri,
                                precision=jax.lax.Precision.HIGHEST)

    t_col = lax.broadcasted_iota(jnp.int32, (T, 1), 0)
    t_f = t_col.astype(jnp.float32)
    mel = mel_ref[0]

    def per_batch(b, _):
        ends_row = ends_ref[pl.ds(b, 1), :]
        cmp = (ends_row <= t_f).astype(jnp.float32)
        idx_i = jnp.sum(cmp, axis=-1, keepdims=True).astype(jnp.int32)
        valid = (idx_i < L) & (t_col < mel)
        local = jnp.where(valid, b * L + idx_i, BL)
        idx_ref[pl.ds(b * T, T), :] = local
        return 0

    lax.fori_loop(0, B, per_batch, 0)


def _sc_gather_body(xpad_hbm, idx_hbm, out_hbm, idx_v, rows_v, sem):
    c = lax.axis_index("c")
    s = lax.axis_index("s")
    wid = c * 16 + s
    pltpu.sync_copy(idx_hbm.at[wid], idx_v)


def _make_sc_gather():
    return pl.kernel(
        _sc_gather_body,
        out_type=jax.ShapeDtypeStruct((B * T, D), jnp.float32),
        mesh=plsc.VectorSubcoreMesh(core_axis_name="c", subcore_axis_name="s"),
        scratch_types=[
            pltpu.VMEM((NCH, CHUNK), jnp.int32),
            pltpu.VMEM((RPW, D), jnp.float32),
            pltpu.SemaphoreType.DMA,
        ],
    )


def kernel(x, target, mel_max_length, Wc1, bc1, g1, b1, Wc2, bc2, g2, b2, Wl, bl):
    x = x.astype(jnp.float32)
    xf = x.reshape(BL, D)
    tgt = target.astype(jnp.float32).reshape(B, L)
    mel = jnp.asarray(mel_max_length, jnp.int32).reshape(1)
    blv = bl.astype(jnp.float32).reshape(1)

    row = lambda a: a.astype(jnp.float32).reshape(1, F)
    wmat = lambda W, k: jnp.transpose(W[:, :, k]).astype(jnp.bfloat16)
    wl_row = Wl.astype(jnp.float32).reshape(1, F)

    full = lambda shp: pl.BlockSpec(shp, lambda: (0,) * len(shp))
    dur2, idx2 = pl.pallas_call(
        _tc_body,
        in_specs=[
            pl.BlockSpec(memory_space=pltpu.SMEM),
            pl.BlockSpec(memory_space=pltpu.SMEM),
            full((BL, D)), full((B, L)),
            full((D, F)), full((D, F)), full((D, F)),
            full((1, F)), full((1, F)), full((1, F)),
            full((F, F)), full((F, F)), full((F, F)),
            full((1, F)), full((1, F)), full((1, F)),
            full((1, F)),
        ],
        out_specs=[
            full((BL, 1)),
            full((B * T, 1)),
        ],
        out_shape=[
            jax.ShapeDtypeStruct((BL, 1), jnp.float32),
            jax.ShapeDtypeStruct((B * T, 1), jnp.int32),
        ],
        scratch_shapes=[pltpu.VMEM((B, L), jnp.float32)],
    )(mel, blv, xf, tgt,
      wmat(Wc1, 0), wmat(Wc1, 1), wmat(Wc1, 2), row(bc1), row(g1), row(b1),
      wmat(Wc2, 0), wmat(Wc2, 1), wmat(Wc2, 2), row(bc2), row(g2), row(b2),
      wl_row)

    dur = dur2.reshape(B, L)
    xpad = jnp.concatenate(
        [x.reshape(BL, D), jnp.zeros((8, D), jnp.float32)], axis=0)
    idx_w = idx2.reshape(NW, NCH, CHUNK)
    out = _make_sc_gather()(xpad, idx_w).reshape(B, T, D)
    return (out, dur)

# --- scband reference (transcript-rebuilt; emitter-appended) ---
"""Pipeline reference for scband-length-regulator-23880018166299 (READ-ONLY COPY).

The authoritative reference and input builder live on the scoring server;
editing this copy changes nothing except your own understanding.
"""

import jax, jax.numpy as jnp
import numpy as np


def _conv1d(x, W, b):
    # x: [B, L, C_in], W: [C_out, C_in, K] (torch Conv1d layout), padding=1
    xt = jnp.transpose(x, (0, 2, 1))  # [B, C, L]
    y = jax.lax.conv_general_dilated(xt, W, window_strides=(1,), padding=[(1, 1)],
                                     dimension_numbers=('NCH', 'OIH', 'NCH'))
    y = y + b[None, :, None]
    return jnp.transpose(y, (0, 2, 1))  # [B, L, C_out]


def _layernorm(x, g, b, eps=1e-5):
    m = jnp.mean(x, axis=-1, keepdims=True)
    v = jnp.var(x, axis=-1, keepdims=True)
    return (x - m) / jnp.sqrt(v + eps) * g + b


def _duration_predictor(x, Wc1, bc1, g1, b1, Wc2, bc2, g2, b2, Wl, bl):
    h = _conv1d(x, Wc1, bc1)
    h = _layernorm(h, g1, b1)
    h = jax.nn.relu(h)
    # dropout p=0.0 -> identity
    h = _conv1d(h, Wc2, bc2)
    h = _layernorm(h, g2, b2)
    h = jax.nn.relu(h)
    out = h @ Wl.T + bl  # [B, L, 1]
    out = jax.nn.relu(out)
    out = jnp.squeeze(out, axis=-1)  # training mode: squeeze -> [B, L]
    return out


def _create_alignment(dur_np, T):
    B, L = dur_np.shape
    base = np.zeros((B, T, L), dtype=np.float32)
    for i in range(B):
        count = 0
        for j in range(L):
            d = int(dur_np[i, j])
            if d > 0:
                base[i, count:count + d, j] = 1.0
            count += d
    return base


def setup_inputs(seed: int = 0) -> dict:
    key = jax.random.key(seed)
    ks = jax.random.split(key, 12)
    B, L, D = 8, 512, 256
    F = 256
    x = jax.random.normal(ks[0], (B, L, D), dtype=jnp.float32)
    target = jax.random.randint(ks[1], (B, L), 0, 4).astype(jnp.int64)
    Wc1 = jax.random.normal(ks[2], (F, D, 3), dtype=jnp.float32) * 0.05
    bc1 = jnp.zeros((F,), dtype=jnp.float32)
    g1 = jnp.ones((F,), dtype=jnp.float32)
    b1 = jnp.zeros((F,), dtype=jnp.float32)
    Wc2 = jax.random.normal(ks[3], (F, F, 3), dtype=jnp.float32) * 0.05
    bc2 = jnp.zeros((F,), dtype=jnp.float32)
    g2 = jnp.ones((F,), dtype=jnp.float32)
    b2 = jnp.zeros((F,), dtype=jnp.float32)
    Wl = jax.random.normal(ks[4], (1, F), dtype=jnp.float32) * 0.05
    bl = jnp.zeros((1,), dtype=jnp.float32)
    return {"x": x, "target": target, "mel_max_length": 1536,
            "Wc1": Wc1, "bc1": bc1, "g1": g1, "b1": b1,
            "Wc2": Wc2, "bc2": bc2, "g2": g2, "b2": b2,
            "Wl": Wl, "bl": bl}


def reference(x, target, mel_max_length, Wc1, bc1, g1, b1, Wc2, bc2, g2, b2, Wl, bl):
    duration_predicted = _duration_predictor(x, Wc1, bc1, g1, b1, Wc2, bc2, g2, b2, Wl, bl)
    T_full = 1536
    ends = jnp.cumsum(target, axis=1)  # [B, L] inclusive cumulative durations
    starts = ends - target             # [B, L] exclusive cumulative durations
    t = jnp.arange(T_full)[None, :, None]  # [1, T, 1]
    A = ((t >= starts[:, None, :]) & (t < ends[:, None, :]))  # [B, T, L]
    A = A * (t < mel_max_length)
    A = A.astype(jnp.float32)
    out = A @ x  # [B, T_full, D]; rows past the total duration are zero (padding)
    return (out, duration_predicted)

if __name__ == "__main__":
    import jax
    _d = setup_inputs()
    print(jax.jit(kernel)(*tuple(_d.values())))

</pallas_src>

<mosaic_0001>
#map = affine_map<(d0, d1) -> (0, 0)>
#map1 = affine_map<(d0, d1) -> (0, 0, 0)>
module attributes {stable_mosaic.version = 14 : i64} {
  func.func @_sc_gather_body(%arg0: i32, %arg1: i32, %arg2: memref<4104x256xf32, #tpu.memory_space<hbm>>, %arg3: memref<32x12x32xi32, #tpu.memory_space<hbm>>, %arg4: memref<12288x256xf32, #tpu.memory_space<hbm>>, %arg5: memref<12x32xi32, #tpu.memory_space<vmem>>, %arg6: memref<384x256xf32, #tpu.memory_space<vmem>>, %arg7: memref<!tpu.dma_semaphore, #tpu.memory_space<semaphore_mem>>) attributes {dimension_semantics = [#tpu.dimension_semantics<core_parallel>, #tpu.dimension_semantics<subcore_parallel>], iteration_bounds = array<i64: 2, 16>, scalar_prefetch = 0 : i64, scratch_operands = 3 : i64, tpu.core_type = #tpu.core_type<sc_vector_subcore>, window_params = [{transform_indices = #map}, {transform_indices = #map1}, {transform_indices = #map}]} {
    %mul3A = arith.constant 16 : i32
    %mul3A_0 = arith.muli %arg0, %mul3A : i32
    %add3A = arith.addi %mul3A_0, %arg1 : i32
    "tpu.region"() ({
      %run_scoped3A = tpu.sem_alloc : memref<!tpu.dma_semaphore, #tpu.memory_space<semaphore_mem>>
      %dma_start3A = arith.constant 0 : i32
      %dma_start3A_1 = arith.constant 0 : i32
      %dma_start3A_2 = tpu.memref_slice %arg3[%add3A, %dma_start3A, %dma_start3A_1] : memref<32x12x32xi32, #tpu.memory_space<hbm>> -> memref<1x12x32xi32, #tpu.memory_space<hbm>>
      %dma_start3A_3 = tpu.memref_squeeze %dma_start3A_2 : memref<1x12x32xi32, #tpu.memory_space<hbm>> -> memref<12x32xi32, #tpu.memory_space<hbm>>
      %dma_start3A_4 = arith.constant 0 : i32
      %dma_start3A_5 = arith.constant 0 : i32
      %dma_start3A_6 = tpu.memref_slice %arg3[%add3A, %dma_start3A_4, %dma_start3A_5] : memref<32x12x32xi32, #tpu.memory_space<hbm>> -> memref<1x12x32xi32, #tpu.memory_space<hbm>>
      %dma_start3A_7 = tpu.memref_squeeze %dma_start3A_6 : memref<1x12x32xi32, #tpu.memory_space<hbm>> -> memref<12x32xi32, #tpu.memory_space<hbm>>
      tpu.enqueue_dma source(%dma_start3A_7 : memref<12x32xi32, #tpu.memory_space<hbm>>) target(%arg5 : memref<12x32xi32, #tpu.memory_space<vmem>>) target_semaphore(%run_scoped3A : memref<!tpu.dma_semaphore, #tpu.memory_space<semaphore_mem>>)
      %dma_wait3A = arith.constant 0 : i32
      %dma_wait3A_8 = arith.constant 0 : i32
      %dma_wait3A_9 = tpu.memref_slice %arg3[%add3A, %dma_wait3A, %dma_wait3A_8] : memref<32x12x32xi32, #tpu.memory_space<hbm>> -> memref<1x12x32xi32, #tpu.memory_space<hbm>>
      %dma_wait3A_10 = tpu.memref_squeeze %dma_wait3A_9 : memref<1x12x32xi32, #tpu.memory_space<hbm>> -> memref<12x32xi32, #tpu.memory_space<hbm>>
      %dma_wait3A_11 = arith.constant 0 : i32
      %dma_wait3A_12 = arith.constant 0 : i32
      %dma_wait3A_13 = tpu.memref_slice %arg3[%add3A, %dma_wait3A_11, %dma_wait3A_12] : memref<32x12x32xi32, #tpu.memory_space<hbm>> -> memref<1x12x32xi32, #tpu.memory_space<hbm>>
      %dma_wait3A_14 = tpu.memref_squeeze %dma_wait3A_13 : memref<1x12x32xi32, #tpu.memory_space<hbm>> -> memref<12x32xi32, #tpu.memory_space<hbm>>
      tpu.wait_dma2 semaphore(%run_scoped3A : memref<!tpu.dma_semaphore, #tpu.memory_space<semaphore_mem>>) src(%dma_wait3A_14 : memref<12x32xi32, #tpu.memory_space<hbm>>) dst(%arg5 : memref<12x32xi32, #tpu.memory_space<vmem>>)
      tpu.yield
    }) : () -> ()
    return
  }
}

module attributes {stable_mosaic.version = 14 : i64} {
  func.func @_tc_body(%arg0: memref<1xi32, #tpu.memory_space<smem>>, %arg1: memref<1xf32, #tpu.memory_space<smem>>, %arg2: memref<4096x256xf32, #tpu.memory_space<vmem>>, %arg3: memref<8x512xf32, #tpu.memory_space<vmem>>, %arg4: memref<256x256xbf16, #tpu.memory_space<vmem>>, %arg5: memref<256x256xbf16, #tpu.memory_space<vmem>>, %arg6: memref<256x256xbf16, #tpu.memory_space<vmem>>, %arg7: memref<1x256xf32, #tpu.memory_space<vmem>>, %arg8: memref<1x256xf32, #tpu.memory_space<vmem>>, %arg9: memref<1x256xf32, #tpu.memory_space<vmem>>, %arg10: memref<256x256xbf16, #tpu.memory_space<vmem>>, %arg11: memref<256x256xbf16, #tpu.memory_space<vmem>>, %arg12: memref<256x256xbf16, #tpu.memory_space<vmem>>, %arg13: memref<1x256xf32, #tpu.memory_space<vmem>>, %arg14: memref<1x256xf32, #tpu.memory_space<vmem>>, %arg15: memref<1x256xf32, #tpu.memory_space<vmem>>, %arg16: memref<1x256xf32, #tpu.memory_space<vmem>>, %arg17: memref<4096x1xf32, #tpu.memory_space<vmem>>, %arg18: memref<12288x1xi32, #tpu.memory_space<vmem>>, %arg19: memref<8x512xf32, #tpu.memory_space<vmem>>) attributes {dimension_semantics = [], scalar_prefetch = 0 : i64, scratch_operands = 1 : i64, tpu.core_type = #tpu.core_type<tc>} {
    %get3A = arith.constant 0 : index
    %get3A_0 = arith.constant 0 : index
    %get3A_1 = vector.load %arg2[%get3A, %get3A_0] : memref<4096x256xf32, #tpu.memory_space<vmem>>, vector<4096x256xf32>
    %iota3A = tpu.iota {dimensions = array<i32: 0>} : vector<4096x1xi32>
    %jit3A = arith.constant 512 : i32
    %eq3A = arith.constant 0 : i32
    %eq3A_2 = arith.cmpi eq, %jit3A, %eq3A : i32
    %jit3A_3 = arith.constant 1 : i32
    %select_n3A = arith.select %eq3A_2, %jit3A_3, %jit3A : i32
    %rem3A = vector.broadcast %select_n3A : i32 to vector<4096x1xi32>
    %rem3A_4 = arith.remsi %iota3A, %rem3A : vector<4096x1xi32>
    %ne3A = arith.constant 0 : i32
    %ne3A_5 = vector.broadcast %ne3A : i32 to vector<4096x1xi32>
    %ne3A_6 = arith.cmpi ne, %rem3A_4, %ne3A_5 : vector<4096x1xi32>
    %lt3A = arith.constant 0 : i32
    %lt3A_7 = vector.broadcast %lt3A : i32 to vector<4096x1xi32>
    %lt3A_8 = arith.cmpi slt, %rem3A_4, %lt3A_7 : vector<4096x1xi32>
    %lt3A_9 = arith.constant 0 : i32
    %lt3A_10 = arith.cmpi slt, %select_n3A, %lt3A_9 : i32
    %ne3A_11 = vector.broadcast %lt3A_10 : i1 to vector<4096x1xi1>
    %ne3A_12 = vector.broadcast %ne3A_11 : vector<4096x1xi1> to vector<4096x1xi1>
    %ne3A_13 = arith.xori %lt3A_8, %ne3A_12 : vector<4096x1xi1>
    %and3A = arith.andi %ne3A_13, %ne3A_6 : vector<4096x1xi1>
    %add3A = vector.broadcast %select_n3A : i32 to vector<4096x1xi32>
    %add3A_14 = arith.addi %rem3A_4, %add3A : vector<4096x1xi32>
    %select_n3A_15 = arith.select %and3A, %add3A_14, %rem3A_4 : vector<4096x1xi1>, vector<4096x1xi32>
    %eq3A_16 = arith.constant 0 : i32
    %eq3A_17 = vector.broadcast %eq3A_16 : i32 to vector<4096x1xi32>
    %eq3A_18 = arith.cmpi eq, %select_n3A_15, %eq3A_17 : vector<4096x1xi32>
    %jit3A_19 = arith.constant 512 : i32
    %eq3A_20 = arith.constant 0 : i32
    %eq3A_21 = arith.cmpi eq, %jit3A_19, %eq3A_20 : i32
    %jit3A_22 = arith.constant 1 : i32
    %select_n3A_23 = arith.select %eq3A_21, %jit3A_22, %jit3A_19 : i32
    %rem3A_24 = vector.broadcast %select_n3A_23 : i32 to vector<4096x1xi32>
    %rem3A_25 = arith.remsi %iota3A, %rem3A_24 : vector<4096x1xi32>
    %ne3A_26 = arith.constant 0 : i32
    %ne3A_27 = vector.broadcast %ne3A_26 : i32 to vector<4096x1xi32>
    %ne3A_28 = arith.cmpi ne, %rem3A_25, %ne3A_27 : vector<4096x1xi32>
    %lt3A_29 = arith.constant 0 : i32
    %lt3A_30 = vector.broadcast %lt3A_29 : i32 to vector<4096x1xi32>
    %lt3A_31 = arith.cmpi slt, %rem3A_25, %lt3A_30 : vector<4096x1xi32>
    %lt3A_32 = arith.constant 0 : i32
    %lt3A_33 = arith.cmpi slt, %select_n3A_23, %lt3A_32 : i32
    %ne3A_34 = vector.broadcast %lt3A_33 : i1 to vector<4096x1xi1>
    %ne3A_35 = vector.broadcast %ne3A_34 : vector<4096x1xi1> to vector<4096x1xi1>
    %ne3A_36 = arith.xori %lt3A_31, %ne3A_35 : vector<4096x1xi1>
    %and3A_37 = arith.andi %ne3A_36, %ne3A_28 : vector<4096x1xi1>
    %add3A_38 = vector.broadcast %select_n3A_23 : i32 to vector<4096x1xi32>
    %add3A_39 = arith.addi %rem3A_25, %add3A_38 : vector<4096x1xi32>
    %select_n3A_40 = arith.select %and3A_37, %add3A_39, %rem3A_25 : vector<4096x1xi1>, vector<4096x1xi32>
    %eq3A_41 = arith.constant 511 : i32
    %eq3A_42 = vector.broadcast %eq3A_41 : i32 to vector<4096x1xi32>
    %eq3A_43 = arith.cmpi eq, %select_n3A_40, %eq3A_42 : vector<4096x1xi32>
    %broadcast_in_dim3A = arith.constant 0.000000e+00 : f32
    %broadcast_in_dim3A_44 = vector.broadcast %broadcast_in_dim3A : f32 to vector<1x256xf32>
    %slice3A = vector.extract_strided_slice %get3A_1 {offsets = [0, 0], sizes = [4095, 256], strides = [1, 1]} : vector<4096x256xf32> to vector<4095x256xf32>
    %concatenate3A = tpu.concatenate %broadcast_in_dim3A_44, %slice3A in 0 : vector<1x256xf32>, vector<4095x256xf32> -> vector<4096x256xf32>
    %jit3A_45 = arith.constant 0.000000e+00 : f32
    %broadcast_in_dim3A_46 = vector.shape_cast %eq3A_18 : vector<4096x1xi1> to vector<4096x1xi1>
    %broadcast_in_dim3A_47 = vector.broadcast %broadcast_in_dim3A_46 : vector<4096x1xi1> to vector<4096x256xi1>
    %broadcast_in_dim3A_48 = vector.broadcast %jit3A_45 : f32 to vector<4096x256xf32>
    %select_n3A_49 = arith.select %broadcast_in_dim3A_47, %broadcast_in_dim3A_48, %concatenate3A : vector<4096x256xi1>, vector<4096x256xf32>
    %convert_element_type3A = arith.truncf %select_n3A_49 : vector<4096x256xf32> to vector<4096x256xbf16>
    %get3A_50 = arith.constant 0 : index
    %get3A_51 = arith.constant 0 : index
    %get3A_52 = vector.load %arg4[%get3A_50, %get3A_51] : memref<256x256xbf16, #tpu.memory_space<vmem>>, vector<256x256xbf16>
    %dot_general3A = arith.constant dense<0.000000e+00> : vector<4096x256xf32>
    %dot_general3A_53 = tpu.matmul %convert_element_type3A, %get3A_52, %dot_general3A {dimension_numbers = #tpu.dot_dimension_numbers<[1], [0], [0], [1], [0, 0, 1, 1], [], []>, transpose_lhs_hint = false} : vector<4096x256xbf16>, vector<256x256xbf16>, vector<4096x256xf32> -> vector<4096x256xf32>
    %convert_element_type3A_54 = arith.truncf %get3A_1 : vector<4096x256xf32> to vector<4096x256xbf16>
    %get3A_55 = arith.constant 0 : index
    %get3A_56 = arith.constant 0 : index
    %get3A_57 = vector.load %arg5[%get3A_55, %get3A_56] : memref<256x256xbf16, #tpu.memory_space<vmem>>, vector<256x256xbf16>
    %dot_general3A_58 = arith.constant dense<0.000000e+00> : vector<4096x256xf32>
    %dot_general3A_59 = tpu.matmul %convert_element_type3A_54, %get3A_57, %dot_general3A_58 {dimension_numbers = #tpu.dot_dimension_numbers<[1], [0], [0], [1], [0, 0, 1, 1], [], []>, transpose_lhs_hint = false} : vector<4096x256xbf16>, vector<256x256xbf16>, vector<4096x256xf32> -> vector<4096x256xf32>
    %add3A_60 = arith.addf %dot_general3A_53, %dot_general3A_59 : vector<4096x256xf32>
    %slice3A_61 = vector.extract_strided_slice %get3A_1 {offsets = [1, 0], sizes = [4095, 256], strides = [1, 1]} : vector<4096x256xf32> to vector<4095x256xf32>
    %concatenate3A_62 = tpu.concatenate %slice3A_61, %broadcast_in_dim3A_44 in 0 : vector<4095x256xf32>, vector<1x256xf32> -> vector<4096x256xf32>
    %jit3A_63 = arith.constant 0.000000e+00 : f32
    %broadcast_in_dim3A_64 = vector.shape_cast %eq3A_43 : vector<4096x1xi1> to vector<4096x1xi1>
    %broadcast_in_dim3A_65 = vector.broadcast %broadcast_in_dim3A_64 : vector<4096x1xi1> to vector<4096x256xi1>
    %broadcast_in_dim3A_66 = vector.broadcast %jit3A_63 : f32 to vector<4096x256xf32>
    %select_n3A_67 = arith.select %broadcast_in_dim3A_65, %broadcast_in_dim3A_66, %concatenate3A_62 : vector<4096x256xi1>, vector<4096x256xf32>
    %convert_element_type3A_68 = arith.truncf %select_n3A_67 : vector<4096x256xf32> to vector<4096x256xbf16>
    %get3A_69 = arith.constant 0 : index
    %get3A_70 = arith.constant 0 : index
    %get3A_71 = vector.load %arg6[%get3A_69, %get3A_70] : memref<256x256xbf16, #tpu.memory_space<vmem>>, vector<256x256xbf16>
    %dot_general3A_72 = arith.constant dense<0.000000e+00> : vector<4096x256xf32>
    %dot_general3A_73 = tpu.matmul %convert_element_type3A_68, %get3A_71, %dot_general3A_72 {dimension_numbers = #tpu.dot_dimension_numbers<[1], [0], [0], [1], [0, 0, 1, 1], [], []>, transpose_lhs_hint = false} : vector<4096x256xbf16>, vector<256x256xbf16>, vector<4096x256xf32> -> vector<4096x256xf32>
    %add3A_74 = arith.addf %add3A_60, %dot_general3A_73 : vector<4096x256xf32>
    %get3A_75 = arith.constant 0 : index
    %get3A_76 = arith.constant 0 : index
    %get3A_77 = vector.load %arg7[%get3A_75, %get3A_76] : memref<1x256xf32, #tpu.memory_space<vmem>>, vector<1x256xf32>
    %add3A_78 = vector.broadcast %get3A_77 : vector<1x256xf32> to vector<4096x256xf32>
    %add3A_79 = arith.addf %add3A_74, %add3A_78 : vector<4096x256xf32>
    %get3A_80 = arith.constant 0 : index
    %get3A_81 = arith.constant 0 : index
    %get3A_82 = vector.load %arg8[%get3A_80, %get3A_81] : memref<1x256xf32, #tpu.memory_space<vmem>>, vector<1x256xf32>
    %get3A_83 = arith.constant 0 : index
    %get3A_84 = arith.constant 0 : index
    %get3A_85 = vector.load %arg9[%get3A_83, %get3A_84] : memref<1x256xf32, #tpu.memory_space<vmem>>, vector<1x256xf32>
    %reduce_sum3A = arith.constant dense<0.000000e+00> : vector<4096xf32>
    %reduce_sum3A_86 = vector.multi_reduction <add>, %add3A_79, %reduce_sum3A [1] : vector<4096x256xf32> to vector<4096xf32>
    %broadcast_in_dim3A_87 = vector.shape_cast %reduce_sum3A_86 : vector<4096xf32> to vector<4096x1xf32>
    %div3A = arith.constant 2.560000e+02 : f32
    %div3A_88 = vector.broadcast %div3A : f32 to vector<4096x1xf32>
    %div3A_89 = arith.divf %broadcast_in_dim3A_87, %div3A_88 : vector<4096x1xf32>
    %sub3A = vector.broadcast %div3A_89 : vector<4096x1xf32> to vector<4096x256xf32>
    %sub3A_90 = arith.subf %add3A_79, %sub3A : vector<4096x256xf32>
    %sub3A_91 = vector.broadcast %div3A_89 : vector<4096x1xf32> to vector<4096x256xf32>
    %sub3A_92 = arith.subf %add3A_79, %sub3A_91 : vector<4096x256xf32>
    %mul3A = arith.mulf %sub3A_90, %sub3A_92 : vector<4096x256xf32>
    %reduce_sum3A_93 = arith.constant dense<0.000000e+00> : vector<4096xf32>
    %reduce_sum3A_94 = vector.multi_reduction <add>, %mul3A, %reduce_sum3A_93 [1] : vector<4096x256xf32> to vector<4096xf32>
    %broadcast_in_dim3A_95 = vector.shape_cast %reduce_sum3A_94 : vector<4096xf32> to vector<4096x1xf32>
    %div3A_96 = arith.constant 2.560000e+02 : f32
    %div3A_97 = vector.broadcast %div3A_96 : f32 to vector<4096x1xf32>
    %div3A_98 = arith.divf %broadcast_in_dim3A_95, %div3A_97 : vector<4096x1xf32>
    %sub3A_99 = vector.broadcast %div3A_89 : vector<4096x1xf32> to vector<4096x256xf32>
    %sub3A_100 = arith.subf %add3A_79, %sub3A_99 : vector<4096x256xf32>
    %add3A_101 = arith.constant 9.99999974E-6 : f32
    %add3A_102 = vector.broadcast %add3A_101 : f32 to vector<4096x1xf32>
    %add3A_103 = arith.addf %div3A_98, %add3A_102 : vector<4096x1xf32>
    %rsqrt3A = math.rsqrt %add3A_103 : vector<4096x1xf32>
    %mul3A_104 = vector.broadcast %rsqrt3A : vector<4096x1xf32> to vector<4096x256xf32>
    %mul3A_105 = arith.mulf %sub3A_100, %mul3A_104 : vector<4096x256xf32>
    %mul3A_106 = vector.broadcast %get3A_82 : vector<1x256xf32> to vector<4096x256xf32>
    %mul3A_107 = arith.mulf %mul3A_105, %mul3A_106 : vector<4096x256xf32>
    %add3A_108 = vector.broadcast %get3A_85 : vector<1x256xf32> to vector<4096x256xf32>
    %add3A_109 = arith.addf %mul3A_107, %add3A_108 : vector<4096x256xf32>
    %max3A = arith.constant 0.000000e+00 : f32
    %max3A_110 = vector.broadcast %max3A : f32 to vector<4096x256xf32>
    %max3A_111 = arith.maximumf %add3A_109, %max3A_110 : vector<4096x256xf32>
    %slice3A_112 = vector.extract_strided_slice %max3A_111 {offsets = [0, 0], sizes = [4095, 256], strides = [1, 1]} : vector<4096x256xf32> to vector<4095x256xf32>
    %concatenate3A_113 = tpu.concatenate %broadcast_in_dim3A_44, %slice3A_112 in 0 : vector<1x256xf32>, vector<4095x256xf32> -> vector<4096x256xf32>
    %jit3A_114 = arith.constant 0.000000e+00 : f32
    %broadcast_in_dim3A_115 = vector.shape_cast %eq3A_18 : vector<4096x1xi1> to vector<4096x1xi1>
    %broadcast_in_dim3A_116 = vector.broadcast %broadcast_in_dim3A_115 : vector<4096x1xi1> to vector<4096x256xi1>
    %broadcast_in_dim3A_117 = vector.broadcast %jit3A_114 : f32 to vector<4096x256xf32>
    %select_n3A_118 = arith.select %broadcast_in_dim3A_116, %broadcast_in_dim3A_117, %concatenate3A_113 : vector<4096x256xi1>, vector<4096x256xf32>
    %convert_element_type3A_119 = arith.truncf %select_n3A_118 : vector<4096x256xf32> to vector<4096x256xbf16>
    %get3A_120 = arith.constant 0 : index
    %get3A_121 = arith.constant 0 : index
    %get3A_122 = vector.load %arg10[%get3A_120, %get3A_121] : memref<256x256xbf16, #tpu.memory_space<vmem>>, vector<256x256xbf16>
    %dot_general3A_123 = arith.constant dense<0.000000e+00> : vector<4096x256xf32>
    %dot_general3A_124 = tpu.matmul %convert_element_type3A_119, %get3A_122, %dot_general3A_123 {dimension_numbers = #tpu.dot_dimension_numbers<[1], [0], [0], [1], [0, 0, 1, 1], [], []>, transpose_lhs_hint = false} : vector<4096x256xbf16>, vector<256x256xbf16>, vector<4096x256xf32> -> vector<4096x256xf32>
    %convert_element_type3A_125 = arith.truncf %max3A_111 : vector<4096x256xf32> to vector<4096x256xbf16>
    %get3A_126 = arith.constant 0 : index
    %get3A_127 = arith.constant 0 : index
    %get3A_128 = vector.load %arg11[%get3A_126, %get3A_127] : memref<256x256xbf16, #tpu.memory_space<vmem>>, vector<256x256xbf16>
    %dot_general3A_129 = arith.constant dense<0.000000e+00> : vector<4096x256xf32>
    %dot_general3A_130 = tpu.matmul %convert_element_type3A_125, %get3A_128, %dot_general3A_129 {dimension_numbers = #tpu.dot_dimension_numbers<[1], [0], [0], [1], [0, 0, 1, 1], [], []>, transpose_lhs_hint = false} : vector<4096x256xbf16>, vector<256x256xbf16>, vector<4096x256xf32> -> vector<4096x256xf32>
    %add3A_131 = arith.addf %dot_general3A_124, %dot_general3A_130 : vector<4096x256xf32>
    %slice3A_132 = vector.extract_strided_slice %max3A_111 {offsets = [1, 0], sizes = [4095, 256], strides = [1, 1]} : vector<4096x256xf32> to vector<4095x256xf32>
    %concatenate3A_133 = tpu.concatenate %slice3A_132, %broadcast_in_dim3A_44 in 0 : vector<4095x256xf32>, vector<1x256xf32> -> vector<4096x256xf32>
    %jit3A_134 = arith.constant 0.000000e+00 : f32
    %broadcast_in_dim3A_135 = vector.shape_cast %eq3A_43 : vector<4096x1xi1> to vector<4096x1xi1>
    %broadcast_in_dim3A_136 = vector.broadcast %broadcast_in_dim3A_135 : vector<4096x1xi1> to vector<4096x256xi1>
    %broadcast_in_dim3A_137 = vector.broadcast %jit3A_134 : f32 to vector<4096x256xf32>
    %select_n3A_138 = arith.select %broadcast_in_dim3A_136, %broadcast_in_dim3A_137, %concatenate3A_133 : vector<4096x256xi1>, vector<4096x256xf32>
    %convert_element_type3A_139 = arith.truncf %select_n3A_138 : vector<4096x256xf32> to vector<4096x256xbf16>
    %get3A_140 = arith.constant 0 : index
    %get3A_141 = arith.constant 0 : index
    %get3A_142 = vector.load %arg12[%get3A_140, %get3A_141] : memref<256x256xbf16, #tpu.memory_space<vmem>>, vector<256x256xbf16>
    %dot_general3A_143 = arith.constant dense<0.000000e+00> : vector<4096x256xf32>
    %dot_general3A_144 = tpu.matmul %convert_element_type3A_139, %get3A_142, %dot_general3A_143 {dimension_numbers = #tpu.dot_dimension_numbers<[1], [0], [0], [1], [0, 0, 1, 1], [], []>, transpose_lhs_hint = false} : vector<4096x256xbf16>, vector<256x256xbf16>, vector<4096x256xf32> -> vector<4096x256xf32>
    %add3A_145 = arith.addf %add3A_131, %dot_general3A_144 : vector<4096x256xf32>
    %get3A_146 = arith.constant 0 : index
    %get3A_147 = arith.constant 0 : index
    %get3A_148 = vector.load %arg13[%get3A_146, %get3A_147] : memref<1x256xf32, #tpu.memory_space<vmem>>, vector<1x256xf32>
    %add3A_149 = vector.broadcast %get3A_148 : vector<1x256xf32> to vector<4096x256xf32>
    %add3A_150 = arith.addf %add3A_145, %add3A_149 : vector<4096x256xf32>
    %get3A_151 = arith.constant 0 : index
    %get3A_152 = arith.constant 0 : index
    %get3A_153 = vector.load %arg14[%get3A_151, %get3A_152] : memref<1x256xf32, #tpu.memory_space<vmem>>, vector<1x256xf32>
    %get3A_154 = arith.constant 0 : index
    %get3A_155 = arith.constant 0 : index
    %get3A_156 = vector.load %arg15[%get3A_154, %get3A_155] : memref<1x256xf32, #tpu.memory_space<vmem>>, vector<1x256xf32>
    %reduce_sum3A_157 = arith.constant dense<0.000000e+00> : vector<4096xf32>
    %reduce_sum3A_158 = vector.multi_reduction <add>, %add3A_150, %reduce_sum3A_157 [1] : vector<4096x256xf32> to vector<4096xf32>
    %broadcast_in_dim3A_159 = vector.shape_cast %reduce_sum3A_158 : vector<4096xf32> to vector<4096x1xf32>
    %div3A_160 = arith.constant 2.560000e+02 : f32
    %div3A_161 = vector.broadcast %div3A_160 : f32 to vector<4096x1xf32>
    %div3A_162 = arith.divf %broadcast_in_dim3A_159, %div3A_161 : vector<4096x1xf32>
    %sub3A_163 = vector.broadcast %div3A_162 : vector<4096x1xf32> to vector<4096x256xf32>
    %sub3A_164 = arith.subf %add3A_150, %sub3A_163 : vector<4096x256xf32>
    %sub3A_165 = vector.broadcast %div3A_162 : vector<4096x1xf32> to vector<4096x256xf32>
    %sub3A_166 = arith.subf %add3A_150, %sub3A_165 : vector<4096x256xf32>
    %mul3A_167 = arith.mulf %sub3A_164, %sub3A_166 : vector<4096x256xf32>
    %reduce_sum3A_168 = arith.constant dense<0.000000e+00> : vector<4096xf32>
    %reduce_sum3A_169 = vector.multi_reduction <add>, %mul3A_167, %reduce_sum3A_168 [1] : vector<4096x256xf32> to vector<4096xf32>
    %broadcast_in_dim3A_170 = vector.shape_cast %reduce_sum3A_169 : vector<4096xf32> to vector<4096x1xf32>
    %div3A_171 = arith.constant 2.560000e+02 : f32
    %div3A_172 = vector.broadcast %div3A_171 : f32 to vector<4096x1xf32>
    %div3A_173 = arith.divf %broadcast_in_dim3A_170, %div3A_172 : vector<4096x1xf32>
    %sub3A_174 = vector.broadcast %div3A_162 : vector<4096x1xf32> to vector<4096x256xf32>
    %sub3A_175 = arith.subf %add3A_150, %sub3A_174 : vector<4096x256xf32>
    %add3A_176 = arith.constant 9.99999974E-6 : f32
    %add3A_177 = vector.broadcast %add3A_176 : f32 to vector<4096x1xf32>
    %add3A_178 = arith.addf %div3A_173, %add3A_177 : vector<4096x1xf32>
    %rsqrt3A_179 = math.rsqrt %add3A_178 : vector<4096x1xf32>
    %mul3A_180 = vector.broadcast %rsqrt3A_179 : vector<4096x1xf32> to vector<4096x256xf32>
    %mul3A_181 = arith.mulf %sub3A_175, %mul3A_180 : vector<4096x256xf32>
    %mul3A_182 = vector.broadcast %get3A_153 : vector<1x256xf32> to vector<4096x256xf32>
    %mul3A_183 = arith.mulf %mul3A_181, %mul3A_182 : vector<4096x256xf32>
    %add3A_184 = vector.broadcast %get3A_156 : vector<1x256xf32> to vector<4096x256xf32>
    %add3A_185 = arith.addf %mul3A_183, %add3A_184 : vector<4096x256xf32>
    %max3A_186 = arith.constant 0.000000e+00 : f32
    %max3A_187 = vector.broadcast %max3A_186 : f32 to vector<4096x256xf32>
    %max3A_188 = arith.maximumf %add3A_185, %max3A_187 : vector<4096x256xf32>
    %get3A_189 = arith.constant 0 : index
    %get3A_190 = arith.constant 0 : index
    %get3A_191 = vector.load %arg16[%get3A_189, %get3A_190] : memref<1x256xf32, #tpu.memory_space<vmem>>, vector<1x256xf32>
    %mul3A_192 = vector.broadcast %get3A_191 : vector<1x256xf32> to vector<4096x256xf32>
    %mul3A_193 = arith.mulf %max3A_188, %mul3A_192 : vector<4096x256xf32>
    %reduce_sum3A_194 = arith.constant dense<0.000000e+00> : vector<4096xf32>
    %reduce_sum3A_195 = vector.multi_reduction <add>, %mul3A_193, %reduce_sum3A_194 [1] : vector<4096x256xf32> to vector<4096xf32>
    %broadcast_in_dim3A_196 = vector.shape_cast %reduce_sum3A_195 : vector<4096xf32> to vector<4096x1xf32>
    %get3A_197 = arith.constant 0 : index
    %get3A_198 = memref.load %arg1[%get3A_197] : memref<1xf32, #tpu.memory_space<smem>>
    %add3A_199 = vector.broadcast %get3A_198 : f32 to vector<4096x1xf32>
    %add3A_200 = arith.addf %broadcast_in_dim3A_196, %add3A_199 : vector<4096x1xf32>
    %max3A_201 = arith.constant 0.000000e+00 : f32
    %max3A_202 = vector.broadcast %max3A_201 : f32 to vector<4096x1xf32>
    %max3A_203 = arith.maximumf %add3A_200, %max3A_202 : vector<4096x1xf32>
    %swap3A = arith.constant 0 : index
    %swap3A_204 = arith.constant 0 : index
    %swap3A_205 = vector.load %arg17[%swap3A, %swap3A_204] : memref<4096x1xf32, #tpu.memory_space<vmem>>, vector<4096x1xf32>
    tpu.vector_store %arg17[%swap3A, %swap3A_204], %max3A_203 {strides = array<i32>} : memref<4096x1xf32, #tpu.memory_space<vmem>>, vector<4096x1xf32>,
    %iota3A_206 = tpu.iota {dimensions = array<i32: 0>} : vector<512x512xi32>
    %iota3A_207 = tpu.iota {dimensions = array<i32: 1>} : vector<512x512xi32>
    %le3A = arith.cmpi sle, %iota3A_206, %iota3A_207 : vector<512x512xi32>
    %convert_element_type3A_208 = arith.extui %le3A : vector<512x512xi1> to vector<512x512xi32>
    %convert_element_type3A_209 = arith.sitofp %convert_element_type3A_208 : vector<512x512xi32> to vector<512x512xf32>
    %get3A_210 = arith.constant 0 : index
    %get3A_211 = arith.constant 0 : index
    %get3A_212 = vector.load %arg3[%get3A_210, %get3A_211] : memref<8x512xf32, #tpu.memory_space<vmem>>, vector<8x512xf32>
    %dot_general3A_213 = arith.constant dense<0.000000e+00> : vector<8x512xf32>
    %dot_general3A_214 = tpu.matmul %get3A_212, %convert_element_type3A_209, %dot_general3A_213 {dimension_numbers = #tpu.dot_dimension_numbers<[1], [0], [0], [1], [0, 0, 1, 1], [], []>, precision = #tpu.contract_precision<fp32>, transpose_lhs_hint = false} : vector<8x512xf32>, vector<512x512xf32>, vector<8x512xf32> -> vector<8x512xf32>
    %swap3A_215 = arith.constant 0 : index
    %swap3A_216 = arith.constant 0 : index
    %swap3A_217 = vector.load %arg19[%swap3A_215, %swap3A_216] : memref<8x512xf32, #tpu.memory_space<vmem>>, vector<8x512xf32>
    tpu.vector_store %arg19[%swap3A_215, %swap3A_216], %dot_general3A_214 {strides = array<i32>} : memref<8x512xf32, #tpu.memory_space<vmem>>, vector<8x512xf32>,
    %iota3A_218 = tpu.iota {dimensions = array<i32: 0>} : vector<1536x1xi32>
    %convert_element_type3A_219 = arith.sitofp %iota3A_218 : vector<1536x1xi32> to vector<1536x1xf32>
    %get3A_220 = arith.constant 0 : index
    %get3A_221 = memref.load %arg0[%get3A_220] : memref<1xi32, #tpu.memory_space<smem>>
    %scan3A = arith.constant 0 : i32
    %scan3A_222 = arith.constant 8 : i32
    %scan3A_223 = arith.addi %scan3A, %scan3A_222 : i32
    %scan3A_224 = arith.constant 1 : i32
    scf.for %scan3A_226 = %scan3A to %scan3A_223 step %scan3A_224  : i32 {
      %get3A_227 = arith.index_cast %scan3A_226 : i32 to index
      %get3A_228 = arith.constant 0 : index
      %get3A_229 = vector.load %arg19[%get3A_227, %get3A_228] : memref<8x512xf32, #tpu.memory_space<vmem>>, vector<1x512xf32>
      %le3A_230 = vector.broadcast %get3A_229 : vector<1x512xf32> to vector<1536x512xf32>
      %le3A_231 = vector.broadcast %convert_element_type3A_219 : vector<1536x1xf32> to vector<1536x512xf32>
      %le3A_232 = arith.cmpf ole, %le3A_230, %le3A_231 : vector<1536x512xf32>
      %convert_element_type3A_233 = arith.extui %le3A_232 : vector<1536x512xi1> to vector<1536x512xi32>
      %convert_element_type3A_234 = arith.sitofp %convert_element_type3A_233 : vector<1536x512xi32> to vector<1536x512xf32>
      %reduce_sum3A_235 = arith.constant dense<0.000000e+00> : vector<1536xf32>
      %reduce_sum3A_236 = vector.multi_reduction <add>, %convert_element_type3A_234, %reduce_sum3A_235 [1] : vector<1536x512xf32> to vector<1536xf32>
      %broadcast_in_dim3A_237 = vector.shape_cast %reduce_sum3A_236 : vector<1536xf32> to vector<1536x1xf32>
      %convert_element_type3A_238 = arith.fptosi %broadcast_in_dim3A_237 : vector<1536x1xf32> to vector<1536x1xi32>
      %lt3A_239 = arith.constant 512 : i32
      %lt3A_240 = vector.broadcast %lt3A_239 : i32 to vector<1536x1xi32>
      %lt3A_241 = arith.cmpi slt, %convert_element_type3A_238, %lt3A_240 : vector<1536x1xi32>
      %lt3A_242 = vector.broadcast %get3A_221 : i32 to vector<1536x1xi32>
      %lt3A_243 = arith.cmpi slt, %iota3A_218, %lt3A_242 : vector<1536x1xi32>
      %and3A_244 = arith.andi %lt3A_241, %lt3A_243 : vector<1536x1xi1>
      %mul3A_245 = arith.constant 512 : i32
      %mul3A_246 = arith.muli %scan3A_226, %mul3A_245 : i32
      %add3A_247 = vector.broadcast %mul3A_246 : i32 to vector<1536x1xi32>
      %add3A_248 = arith.addi %add3A_247, %convert_element_type3A_238 : vector<1536x1xi32>
      %jit3A_249 = arith.constant 4096 : i32
      %broadcast_in_dim3A_250 = vector.broadcast %jit3A_249 : i32 to vector<1536x1xi32>
      %select_n3A_251 = arith.select %and3A_244, %add3A_248, %broadcast_in_dim3A_250 : vector<1536x1xi1>, vector<1536x1xi32>
      %mul3A_252 = arith.constant 1536 : i32
      %mul3A_253 = arith.muli %scan3A_226, %mul3A_252 : i32
      %swap3A_254 = arith.index_cast %mul3A_253 : i32 to index
      %swap3A_255 = arith.constant 0 : index
      %swap3A_256 = vector.load %arg18[%swap3A_254, %swap3A_255] : memref<12288x1xi32, #tpu.memory_space<vmem>>, vector<1536x1xi32>
      tpu.vector_store %arg18[%swap3A_254, %swap3A_255], %select_n3A_251 {strides = array<i32>} : memref<12288x1xi32, #tpu.memory_space<vmem>>, vector<1536x1xi32>,
    }
    %scan3A_225 = arith.constant 8 : i32
    return
  }
}

</mosaic_0001>

<sc_bundles>
// kernel: kernel.4.cloned.1.call-start
scs
__scs_entry_jumppad:
0x0: {  	(pc) =	sbr.rel $0x88, $3  }
0x1: {  	(tag) =	ssettag $0x0;
	lr =	simm.s32 $0x1  }
0x2: {  	[smem:$0x3F94] =	sst lr;
	_ =	strace $0xD0000000  }
0x3: {  	_ = 	snop  }
0x4: {  	_ = 	snop  }
0x5: {  	_ = 	snop  }
0x6: {  	_ = 	snop  }
0x7: {  	_ = 	snop  }
__scs_overlays_trampoline_lowered:
0x8: {  	[smem:$0x3FA3] =	sst s0  }
0x9: {  	[smem:$0x3FA4] =	sst s1  }
0xa: {  	[smem:$0x3FA5] =	sst s2  }
0xb: {  	[smem:$0x3FA6] =	sst s3  }
0xc: {  	[smem:$0x3FA7] =	sst s4  }
0xd: {  	[smem:$0x3FA8] =	sst s5  }
0xe: {  	[smem:$0x3FA9] =	sst s6  }
0xf: {  	[smem:$0x3FAA] =	sst s7  }
0x10: {  	[smem:$0x3FAB] =	sst s8  }
0x11: {  	[smem:$0x3FAC] =	sst s9;
	s0 =	simm.s32 @!p0 $0x0  }
0x12: {  	s1 =	sld [smem:$0x3F92];
	s0 =	simm.s32 @p0 $0x1  }
0x13: {  	[smem:$0x3FAD] =	sst s0;
	s0 =	simm.s32 @!p1 $0x0  }
0x14: {  	s2 =	sld [smem:$0x3F91];
	s0 =	simm.s32 @p1 $0x1  }
0x15: {  	[smem:$0x3FAE] =	sst s0;
	s0 =	simm.s32 @!p2 $0x0  }
0x16: {  	s3 =	sld [smem:$0x3FDB];
	s0 =	simm.s32 @p2 $0x1  }
0x17: {  	s4 =	simm.s32 $0x1BF5;
	[smem:$0x3FB0] =	sst s0  }
0x18: {  	s0 =	sld [smem:$0x3F93];
	_ =	swait.ge [sflag:s4], $0x0  }
0x19: {  	s7 =	sld [smem:$0x3F94]  }
0x1a: {  	s8 =	sadd.s32 $0xFFFFE003, lr  }
0x1b: {  	s9 =	sadd.s32 $0xFFFFFEF7, lr;
	s5 =	simm.s32 $0xFFFFFFFF;
	p2 =	slt.u32 s8, $0xFFFFF086  }
0x1c: {  	p1 =	slt.u32 s9, $0xF7A;
	s5 =	simm.s32 @!p2 $0x0  }
0x1d: {  	s5 =	simm.s32 @p1 $0x1;
	p0 =	seq.s32 s7, s2  }
0x1e: {  	s7 =	smul.u32 @!p0 $0xF7A, s2;
	p2 =	seq.s32 @!p0 s5, $0x0  }
0x1f: {  	s9 =	smul.u32 $0xF7A, s1;
	s8 =	simm.s32 @!p0 $0x1BF5;
	p2 =	por !p2, p0  }
0x20: {  	[sflag:s8] =	ssyncset.s32 @!p0 $0xFFFFF086;
	s6 =	sadd.s32 @!p0 s3, s7;
	s7 =	simm.s32 @!p0 $0x108  }
0x21: {  	s3 =	sadd.s32 s3, s9;
	s6 =	sadd.s32 @!p0 $0x88, s6;
	s7 =	simm.s32 @p2 $0x1082  }
0x22: {  	[simem:s7], [sflag:s8] =	dma.local @!p0 [hbm:s6], $0xF7A  }
0x23: {  	s9 =	sor.u32 $0xD0000000, s2;
	s6 =	simm.s32 $0x108;
	_ =	swait.ge @!p0 [sflag:s8], $0x0  }
0x24: {  	s3 =	sadd.s32 $0x88, s3;
	s6 =	simm.s32 @!p1 $0x1082;
	[sflag:s4] =	ssyncset.s32 $0xFFFFF086  }
0x25: {  	[simem:s6], [sflag:s4] =	dma.local [hbm:s3], $0xF7A  }
0x26: {  	[smem:$0x3F94] =	sst s1;
	(tag) =	ssettag s2;
	_ =	strace s9  }
0x27: {  	s1 =	sld [smem:$0x3FA4]  }
0x28: {  	s2 =	sld [smem:$0x3FA5]  }
0x29: {  	s4 =	sld [smem:$0x3FA7]  }
0x2a: {  	p0 =	seq.s32 s5, $0x0;
	s5 =	sld [smem:$0x3FA8]  }
0x2b: {  	s6 =	sld [smem:$0x3FA9]  }
0x2c: {  	s7 =	sld [smem:$0x3FAA]  }
0x2d: {  	s3 =	simm.s32 $0x108;
	s8 =	sld [smem:$0x3FAB]  }
0x2e: {  	s3 =	simm.s32 @!p0 $0x1082;
	s9 =	sld [smem:$0x3FAC]  }
0x2f: {  	lr =	sadd.s32 s0, s3;
	s0 =	sld [smem:$0x3FA3]  }
0x30: {  	s3 =	sld [smem:$0x3FA6]  }
0x31: {  	[smem:$0x3FAF] =	sst s10  }
0x32: {  	s10 =	sld [smem:$0x3FAD];
	_ =	sdelay $0x3  }
0x33: {  	p0 =	seq.s32 s10, $0x1;
	s10 =	sld [smem:$0x3FAF];
	_ =	sdelay $0x3  }
0x34: {  	[smem:$0x3FAF] =	sst s10  }
0x35: {  	s10 =	sld [smem:$0x3FAE];
	_ =	sdelay $0x3  }
0x36: {  	p1 =	seq.s32 s10, $0x1;
	s10 =	sld [smem:$0x3FAF];
	_ =	sdelay $0x3  }
0x37: {  	[smem:$0x3FAF] =	sst s10  }
0x38: {  	s10 =	sld [smem:$0x3FB0]  }
0x39: {  	_ = 	snop;
	(pc) =	sbr.ind lr, $3  }
0x3a: {  	_ = 	snop  }
0x3b: {  	_ = 	snop  }
0x3c: {  	p2 =	seq.s32 s10, $0x1;
	s10 =	sld [smem:$0x3FAF]  }
0x3d: {  	_ =	shalt  }
0x3e: {  	_ =	shalt  }
0x3f: {  	_ =	shalt  }
0x40: {  	_ =	shalt  }
0x41: {  	_ =	shalt  }
0x42: {  	_ =	shalt  }
0x43: {  	_ =	shalt  }
0x44: {  	_ =	shalt  }
0x45: {  	_ =	shalt  }
0x46: {  	_ =	shalt  }
0x47: {  	_ =	shalt  }
0x48: {  	_ =	shalt  }
0x49: {  	_ =	shalt  }
0x4a: {  	_ =	shalt  }
0x4b: {  	_ =	shalt  }
0x4c: {  	_ =	shalt  }
0x4d: {  	_ =	shalt  }
0x4e: {  	_ =	shalt  }
0x4f: {  	_ =	shalt  }
0x50: {  	_ =	shalt  }
0x51: {  	_ =	shalt  }
0x52: {  	_ =	shalt  }
0x53: {  	_ =	shalt  }
0x54: {  	_ =	shalt  }
0x55: {  	_ =	shalt  }
0x56: {  	_ =	shalt  }
0x57: {  	_ =	shalt  }
0x58: {  	_ =	shalt  }
0x59: {  	_ =	shalt  }
0x5a: {  	_ =	shalt  }
0x5b: {  	_ =	shalt  }
0x5c: {  	_ =	shalt  }
0x5d: {  	_ =	shalt  }
0x5e: {  	_ =	shalt  }
0x5f: {  	_ =	shalt  }
0x60: {  	_ =	shalt  }
0x61: {  	_ =	shalt  }
0x62: {  	_ =	shalt  }
0x63: {  	_ =	shalt  }
0x64: {  	_ =	shalt  }
0x65: {  	_ =	shalt  }
0x66: {  	_ =	shalt  }
0x67: {  	_ =	shalt  }
0x68: {  	_ =	shalt  }
0x69: {  	_ =	shalt  }
0x6a: {  	_ =	shalt  }
0x6b: {  	_ =	shalt  }
0x6c: {  	_ =	shalt  }
0x6d: {  	_ =	shalt  }
0x6e: {  	_ =	shalt  }
0x6f: {  	_ =	shalt  }
0x70: {  	_ =	shalt  }
0x71: {  	_ =	shalt  }
0x72: {  	_ =	shalt  }
0x73: {  	_ =	shalt  }
0x74: {  	_ =	shalt  }
0x75: {  	_ =	shalt  }
0x76: {  	_ =	shalt  }
0x77: {  	_ =	shalt  }
0x78: {  	_ =	shalt  }
0x79: {  	_ =	shalt  }
0x7a: {  	_ =	shalt  }
0x7b: {  	_ =	shalt  }
0x7c: {  	_ =	shalt  }
0x7d: {  	_ =	shalt  }
0x7e: {  	_ =	shalt  }
0x7f: {  	_ =	shalt  }
0x80: {  	_ =	shalt  }
0x81: {  	_ =	shalt  }
0x82: {  	_ =	shalt  }
0x83: {  	_ =	shalt  }
0x84: {  	_ =	shalt  }
0x85: {  	_ =	shalt  }
0x86: {  	_ =	shalt  }
0x87: {  	_ =	shalt  }
.Lfunc_end0:
.L_simem_size_0:
called_computation_lowered:
.L_overlay_start_0:
0x88: {  	s2 =	sld [smem:$0x3FD9]  }
0x89: {  	s3 =	sld [smem:$0x3FFE];
	_ =	sdelay $0x1  }
0x8a: {  	s1 =	srdreg.scid  }
0x8b: {  	s0 =	sand.u32 $0x1, s1  }
0x8c: {  	s16 =	sshll.u32 s0, $0xA;
	s2 =	sadd.s32 s3, s2  }
0x8d: {  	s2 =	sadd.s32 s2, s16  }
0x8e: {  	[smem:$0x3FBB] =	sst s2  }
0x8f: {  	_ = 	snop  }
0x90: {  	(tm) =	ssettm $0x1  }
0x91: {  	s17 =	sld [smem:$0x3FFB];
	_ =	sdelay $0x3  }
0x92: {  	_ =	strace s17  }
0x93: {  	s2 =	sld [smem:$0x3FFC];
	_ =	sdelay $0x3  }
0x94: {  	_ =	strace s2  }
0x95: {  	s2 =	sld [smem:$0x3FFD];
	_ =	sdelay $0x3  }
0x96: {  	_ =	strace s2  }
0x97: {  	_ =	strace $0x8FFFFFFF  }
0x98: {  	s18 =	sld [smem:$0x3FDB];
	_ =	sdelay $0x1  }
0x99: {  	s19 =	simm.s32 $_scs_section_size  }
0x9a: {  	s4 =	simm.s32 $_size__tile_overlayer_lowered;
	s5 =	simm.s32 $_tile_overlayer_lowered  }
0x9b: {  	s22 =	simm.s32 $0x1BFF;
	s21 =	sshll.u32 s5, $0x1;
	s2 =	sadd.s32 s19, s18  }
0x9c: {  	s6 =	simm.s32 $0x0;
	s20 =	sshll.u32 s4, $0x1;
	s4 =	sadd.s32 s21, s2  }
0x9d: {  	[timem:s6], [sflag:s22] =	dma.local [hbm:s4], s20  }
0x9e: {  	_ =	swait.ge [sflag:s22], s20  }
0x9f: {  	s3 =	ssub.s32 $0x0, s20;
	[sflag:s22] =	ssyncset.done $0x0  }
0xa0: {  	[sflag:s22] =	ssyncadd.s32 s3;
	_ =	sdelay $0x1  }
0xa1: {  	s23 =	simm.s32 $0x1B8B  }
0xa2: {  	_ =	swait.ge [sflag:s23], $0x1  }
0xa3: {  	[sflag:s23] =	ssyncset.done $0x0  }
0xa4: {  	s25 =	simm.s32 $0x1B8E;
	s24 =	sld [smem:$0x3FFE];
	[sflag:s23] =	ssyncadd.s32 $0xFFFFFFFF  }
0xa5: {  	s26 =	simm.s32 $execute0_lowered;
	[smem:$0x3FD2] =	sst s25  }
0xa6: {  	s4 =	sshll.u32 s26, $0x1;
	_ =	strace $0x80000046;
	[dreg:$0x1] =	wrdreg $0xFFFFFFFF  }
0xa7: {  	s28 =	simm.s32 $_size_execute0_lowered;
	s2 =	sadd.s32 s2, s4;
	[dreg:$0x0] =	wrdreg $0x0  }
0xa8: {  	s4 =	sshll.u32 s28, $0x1;
	[dreg:$0x2] =	wrdreg s2  }
0xa9: {  	[dreg:$0x3] =	wrdreg s4  }
0xaa: {  	[dreg:$0x4] =	wrdreg $0xC0  }
0xab: {  	_ =	task [dreg:s6], $0x5FFFF  }
0xac: {  	[dreg:$0x1] =	wrdreg $0xFFFFFFFF  }
0xad: {  	[dreg:$0x0] =	wrdreg $0x60  }
0xae: {  	[dreg:$0x2] =	wrdreg s24  }
0xaf: {  	[dreg:$0x3] =	wrdreg $0x9  }
0xb0: {  	_ =	task.clear_ibuf [dreg:s6], $0x4FFFF;
	_ =	strace $0x90000046  }
0xb1: {  	s29 =	simm.s32 $0x9;
	_ =	strace $0x80000048  }
0xb2: {  	_ =	swait.ge [sflag:s29], $0x1  }
0xb3: {  	[sflag:s29] =	ssyncadd.s32 $0xFFFFFFFF  }
0xb4: {  	_ =	strace $0x90000048  }
0xb5: {  	_ =	sfence  }
0xb6: {  	s30 =	sld [smem:$0x0];
	_ =	sdelay $0x2  }
0xb7: {  	s31 =	sshll.u32 s1, $0xD;
	s1 =	sshrl.u32 s1, $0x2  }
0xb8: {  	s3 =	sand.u32 $0x4000, s31;
	s1 =	sadd.s32 s1, s30  }
0xb9: {  	s0 =	sor.u32 s3, s0;
	s1 =	sshll.u32 s1, $0x11  }
0xba: {  	s0 =	sor.u32 s1, s0  }
0xbb: {  	s0 =	sadd.s32 $0x8F2B, s0  }
0xbc: {  	[sflag:s0] =	ssyncadd.remote.s32 $0x1  }
0xbd: {  	_ =	sfence.sel $0xFFFF  }
0xbe: {  	[dreg:$0x0] =	wrdreg $0xFFFFFFFF;
	(pc) =	sbr.abs _section_cstart, $3  }
0xbf: {  	[dreg:$0x1] =	wrdreg $0xFFFFFFFF  }
0xc0: {  	_ =	task.clear_ibuf [dreg:s6], $0x2FFFF;
	_ =	strace $0x9FFFFFFF  }
0xc1: {  	(tm) =	ssettm $0x7FFFFFFF  }
tec
execute0_lowered:
.L_overlay_start_1:
0x0: {  	(tag) =	ssettag $0x1  }
0x1: {  	s4 =	srdreg.scid  }
0x2: {  	s4 =	sand.u32 $0x1, s4  }
0x3: {  	s1 =	stileid.u32;
	s6 =	ssub.s32 $0x2, s4  }
0x4: {  	s3 =	rddreg [dreg:$0x0];
	s5 =	sshll.u32 s1, $0x8;
	s31 =	sshrl.u32 s6, $0x1  }
0x5: {  	s3 =	sadd.s32 s5, s3;
	s5 =	ssub.s32 s6, s31  }
0x6: {  	s0 =	rddreg [dreg:$0x1];
	s5 =	smax.u32 s5, $0x1  }
0x7: {  	s2 =	simm.s32 $0x0;
	s4 =	sshll.u32 s4, $0xC;
	p0 =	sne.s32 s5, $0x1  }
.Ltmp0:
0x8: {  	[smem:$0x7FF] =	sst s2;
	s3 =	sadd.s32 s4, s3;
	(pc) =	sbr.rel @!p0 .LBB2_2-.Ltmp0, $4  }
0x9: {  	_ =	strace $0x80000047;
	s4 =	simm.s32 $0x1;
	s3 =	sadd.s32 $0x21000, s3  }
0xa: {  	[tilespmem:s2], [sflag:$0x1] =	stream.linear.gather [hbm4b:s3+s2], $0x600, $0x38;
	[tilespmem:$0x800] =	vst v63  }
0xb: {  	_ =	swait.ge [sflag:s4], $0x600  }
0xc: {  	s5 =	sadd.s32 $0xFFFFFFFF, s5;
	[sflag:s4] =	ssyncset.done $0x0  }
.LBB2_1:
0xd: {  	p0 =	sne.s32 s5, $0x1;
	s5 =	sadd.s32 $0xFFFFFFFF, s5;
	[sflag:s4] =	ssyncadd.s32 $0xFFFFFA00  }
.Ltmp1:
0xe: {  	(pc) =	sbr.rel @p0 .LBB2_1-.Ltmp1, $4  }
0xf: {  	_ = 	snop  }
0x10: {  	[tilespmem:s2], [sflag:$0x1] =	stream.linear.gather [hbm4b:s3+s2], $0x600, $0x38;
	[tilespmem:$0x800] =	vst v63  }
0x11: {  	_ =	swait.ge [sflag:s4], $0x600  }
0x12: {  	[sflag:s4] =	ssyncset.done $0x0  }
.LBB2_2:
0x13: {  	[sflag:s4] =	ssyncadd.s32 $0xFFFFFA00  }
0x14: {  	_ =	sfence.sel $0x180000  }
0x15: {  	[bflag:$0x0] =	sbarrier.arrive $0xFFFF  }
0x16: {  	p0 =	sne.s32 s1, $0x0;
	_ =	strace $0x90000047  }
0x17: {  	s0 =	sadd.s32 @!p0 $0x100000, s0;
	[bflag:$0x2] =	sbarrier.arrive $0xFFFF  }
0x18: {  	[sflag:s0] =	ssyncadd.tile.s32 @!p0 $0x1;
	_ =	shalt  }
.Lfunc_end2:
_tile_overlayer_lowered:
.L_overlay_start_2:
0x19: {  	(tag) =	ssettag $0x2  }
0x1a: {  	s0 =	rddreg [dreg:$0x0];
	s2 =	stileid.u32  }
0x1b: {  	s1 =	rddreg [dreg:$0x1];
	p0 =	sne.s32 s2, $0x0  }
0x1c: {  	s3 =	rddreg [dreg:$0x2];
	[bflag:$0x3] =	sbarrier.arrive $0xFFFF;
	s2 =	simm.s32 @!p0 $0x1C01  }
0x1d: {  	[timem:s3], [sflag:s2] =	dma.local @!p0 [hbm:s0], s1  }
0x1e: {  	s0 =	simm.s32 @!p0 $0x1  }
0x1f: {  	_ =	swait.ge @!p0 [sflag:s0], s1  }
0x20: {  	s1 =	ssub.s32 @!p0 $0x0, s1;
	[sflag:s0] =	ssyncset.done @!p0 $0x0  }
0x21: {  	[sflag:s0] =	ssyncadd.s32 @!p0 s1  }
0x22: {  	[bflag:$0x3] =	sbarrier.arrive $0xFFFF  }
0x23: {  	_ =	shalt  }

</sc_bundles>
